<compile_context>
chip_gen: v7x
topology: tpu7x:2x2x1
jax: 0.10.2.dev20260603
libtpu: 0.0.44.dev20260713+nightly
codegen_flags: <defaults>
</compile_context>

<pallas_src>
import functools

import jax
import jax.numpy as jnp
from jax import lax
from jax.experimental import pallas as pl
from jax.experimental.pallas import tpu as pltpu
from jax.experimental.pallas import tpu_sc as plsc

_B = 16
_TW = 25
_NX = 2048
_NT = 250
_NNEI = 2
_TMIN, _TMAX = 0.0, 4.0
_N = _B * _NX
_EB = 2 * _NNEI * _NX - _NNEI * (_NNEI + 1)
_EPAD = 8192
_F = 2 * _TW + 3
_L = 16
_HALO = 16

_DCANDS = (-2, -1, 1, 2)


def _edge_body(x_hbm, out_hbm, xpad_v, src_v, dst_v):
    nc = 2
    wid = lax.axis_index("s") * nc + lax.axis_index("c")

    @pl.when(wid < _B)
    def _():
        b = wid
        sentinel = jnp.full((_L,), -1e9, jnp.float32)
        xpad_v[pl.ds(0, _L)] = sentinel
        xpad_v[pl.ds(_HALO + _NX, _L)] = sentinel
        pltpu.sync_copy(x_hbm.at[pl.ds(b * _NX, _NX)], xpad_v.at[pl.ds(_HALO, _NX)])

        iota = lax.iota(jnp.int32, _L)
        ones = jnp.full((_L,), 1, jnp.int32)
        zeros = jnp.zeros((_L,), jnp.int32)
        fone = jnp.full((_L,), 1.0, jnp.float32)
        fzero = jnp.zeros((_L,), jnp.float32)
        lane0 = jnp.where(iota == 0, fone, fzero)
        x01 = xpad_v[pl.ds(_HALO, _L)]
        x12 = xpad_v[pl.ds(_HALO + 1, _L)]
        dx = jnp.sum((x12 - x01) * lane0)
        radius = _NNEI * dx + dx * 0.1

        def body(it, carry):
            i0 = it * _L
            xi = xpad_v[pl.ds(_HALO + i0, _L)]
            base_i = b * _NX + i0 + iota
            masks = []
            cnt = jnp.zeros((_L,), jnp.int32)
            for d in _DCANDS:
                xj = xpad_v[pl.ds(_HALO + i0 + d, _L)]
                m = jnp.abs(xj - xi) <= radius
                masks.append(m)
                cnt = cnt + jnp.where(m, ones, zeros)
            incl = plsc.cumsum(cnt)
            pos_base = carry + incl - cnt
            off = jnp.zeros((_L,), jnp.int32)
            for d, m in zip(_DCANDS, masks):
                pos = pos_base + off
                plsc.store_scatter(src_v, [pos], base_i + d, mask=m)
                plsc.store_scatter(dst_v, [pos], base_i, mask=m)
                off = off + jnp.where(m, ones, zeros)
            return carry + jnp.sum(cnt)

        lax.fori_loop(0, _NX // _L, body, jnp.int32(0))
        pltpu.sync_copy(src_v, out_hbm.at[pl.ds((2 * b) * _EPAD, _EPAD)])
        pltpu.sync_copy(dst_v, out_hbm.at[pl.ds((2 * b + 1) * _EPAD, _EPAD)])


@jax.jit
def _edge_call(xr):
    mesh = plsc.VectorSubcoreMesh(core_axis_name="c", subcore_axis_name="s")
    fn = functools.partial(
        pl.kernel,
        mesh=mesh,
        out_type=jax.ShapeDtypeStruct((_B * 2 * _EPAD,), jnp.int32),
        scratch_types=[
            pltpu.VMEM((2 * _HALO + _NX,), jnp.float32),
            pltpu.VMEM((_EPAD,), jnp.int32),
            pltpu.VMEM((_EPAD,), jnp.int32),
        ],
        compiler_params=pltpu.CompilerParams(needs_layout_passes=False),
    )(_edge_body)
    return fn(xr)


_GB = 8
_GN = _GB * _NX


def _feat_body(steps_ref, alpha_ref, data_ref, labels_ref, x_ref, out_ref):
    g = pl.program_id(0)
    tscale = jnp.float32((_TMAX - _TMIN) / (_NT - 1))
    trow = jnp.concatenate(
        [
            jnp.full(
                (1, _NX),
                steps_ref[g * _GB + k].astype(jnp.float32) * tscale,
                jnp.float32,
            )
            for k in range(_GB)
        ],
        axis=1,
    )
    arow = jnp.concatenate(
        [jnp.full((1, _NX), alpha_ref[g * _GB + k], jnp.float32) for k in range(_GB)],
        axis=1,
    )
    u = data_ref[...].reshape(_TW, _GN)
    y = labels_ref[...].reshape(_TW, _GN)
    xrow = x_ref[...].reshape(1, _GN)
    out_ref[...] = jnp.concatenate([u, y, trow, xrow, arow], axis=0)


@jax.jit
def _feat_call(steps, var_alpha, data_t, labels_t, x3):
    return pl.pallas_call(
        _feat_body,
        grid=(_B // _GB,),
        in_specs=[
            pl.BlockSpec(memory_space=pltpu.SMEM),
            pl.BlockSpec(memory_space=pltpu.SMEM),
            pl.BlockSpec((_TW, _GB, _NX), lambda g: (0, g, 0)),
            pl.BlockSpec((_TW, _GB, _NX), lambda g: (0, g, 0)),
            pl.BlockSpec((1, _GB, _NX), lambda g: (0, g, 0)),
        ],
        out_specs=pl.BlockSpec((_F, _GN), lambda g: (0, g)),
        out_shape=jax.ShapeDtypeStruct((_F, _N), jnp.float32),
    )(steps, var_alpha, data_t, labels_t, x3)


def _depad_body(ebuf_ref, out_ref):
    for b in range(_B):
        src = ebuf_ref[pl.ds((2 * b) * _EPAD, _EB)]
        dst = ebuf_ref[pl.ds((2 * b + 1) * _EPAD, _EB)]
        out_ref[0:1, pl.ds(b * _EB, _EB)] = src.reshape(1, _EB)
        out_ref[1:2, pl.ds(b * _EB, _EB)] = dst.reshape(1, _EB)


@jax.jit
def _depad_call(ebuf):
    return pl.pallas_call(
        _depad_body,
        out_shape=jax.ShapeDtypeStruct((2, _B * _EB), jnp.int32),
    )(ebuf)


def kernel(data, labels, x, var_alpha, steps):
    data_t = jnp.transpose(data, (1, 0, 2))
    labels_t = jnp.transpose(labels, (1, 0, 2))
    ebuf = _edge_call(x.reshape(_B * _NX))
    featT = _feat_call(steps, var_alpha, data_t, labels_t, x.reshape(1, _B, _NX))
    edge_index = _depad_call(ebuf)
    return featT.T, edge_index

# --- scband reference (transcript-rebuilt; emitter-appended) ---
"""Pipeline reference for scband-graph-creator-1649267442265 (READ-ONLY COPY).

The authoritative reference and input builder live on the scoring server;
editing this copy changes nothing except your own understanding.
"""

import jax, jax.numpy as jnp
import numpy as np

B = 16
TW = 25
NX = 2048
NT = 250
NNEI = 2
TMIN, TMAX = 0.0, 4.0
L = 16.0
N = B * NX
E = B * (2 * NNEI * NX - NNEI * (NNEI + 1))


def setup_inputs(seed: int = 0) -> dict:
    key = jax.random.key(seed)
    k1, k2, k3, k4 = jax.random.split(key, 4)
    data = jax.random.normal(k1, (B, TW, NX), dtype=jnp.float32)
    labels = jax.random.normal(k2, (B, TW, NX), dtype=jnp.float32)
    grid = (jnp.arange(NX, dtype=jnp.float32) / NX) * L
    x = jnp.tile(grid[None, :, None], (B, 1, 1))  # same spatial grid per batch, like x[0] in torch code
    var_alpha = jax.random.normal(k3, (B,), dtype=jnp.float32)
    steps = jax.random.randint(k4, (B,), 0, NT - TW, dtype=jnp.int32)
    return {"data": data, "labels": labels, "x": x, "var_alpha": var_alpha, "steps": steps}


def reference(data, labels, x, var_alpha, steps):
    # --- node features (GraphCreator.create_graph) ---
    # u: per batch, transpose [tw, nx] -> [nx, tw], concatenated over batches
    u = jnp.transpose(data, (0, 2, 1)).reshape(N, TW)
    y = jnp.transpose(labels, (0, 2, 1)).reshape(N, TW)
    x_pos = x.reshape(N, 1)
    t = jnp.linspace(TMIN, TMAX, NT)
    t_pos = jnp.repeat(t[steps], NX)
    batch_ids = jnp.repeat(jnp.arange(B), NX)
    gvars = var_alpha[batch_ids][:, None]
    pos = jnp.concatenate([t_pos[:, None], x_pos], axis=1)
    node_feat = jnp.concatenate([u, y, pos, gvars], axis=1)  # [N, 2*TW + 3]

    # --- radius_graph (the kNN / retrieval core) ---
    dx = x[0, 1, 0] - x[0, 0, 0]
    radius = NNEI * dx + dx / 10.0
    # per-batch pairwise distances (1D spatial domain)
    dist = jnp.abs(x[:, :, None, 0] - x[:, None, :, 0])  # [B, NX, NX]
    eye = jnp.eye(NX, dtype=bool)
    mask = (dist <= radius) & (~eye[None, :, :])
    flat = mask.reshape(-1)
    (lin,) = jnp.nonzero(flat, size=E, fill_value=0)
    b_idx = lin // (NX * NX)
    rem = lin % (NX * NX)
    i = rem // NX
    j = rem % NX
    src = b_idx * NX + j
    dst = b_idx * NX + i
    edge_index = jnp.stack([src, dst], axis=0)  # [2, E]

    return node_feat, edge_index

if __name__ == "__main__":
    import jax
    _d = setup_inputs()
    print(jax.jit(kernel)(*tuple(_d.values())))

</pallas_src>

<mosaic_0001>
#map = affine_map<(d0, d1) -> (0)>
module attributes {stable_mosaic.version = 14 : i64} {
  func.func @_edge_body(%arg0: i32, %arg1: i32, %arg2: memref<32768xf32, #tpu.memory_space<hbm>>, %arg3: memref<262144xi32, #tpu.memory_space<hbm>>, %arg4: memref<2080xf32, #tpu.memory_space<vmem>>, %arg5: memref<8192xi32, #tpu.memory_space<vmem>>, %arg6: memref<8192xi32, #tpu.memory_space<vmem>>) attributes {dimension_semantics = [#tpu.dimension_semantics<core_parallel>, #tpu.dimension_semantics<subcore_parallel>], iteration_bounds = array<i64: 2, 16>, scalar_prefetch = 0 : i64, scratch_operands = 3 : i64, tpu.core_type = #tpu.core_type<sc_vector_subcore>, window_params = [{transform_indices = #map}, {transform_indices = #map}]} {
    %mul3A = arith.constant 2 : i32
    %mul3A_0 = arith.muli %arg1, %mul3A : i32
    %add3A = arith.addi %mul3A_0, %arg0 : i32
    %lt3A = arith.constant 16 : i32
    %lt3A_1 = arith.cmpi slt, %add3A, %lt3A : i32
    %convert_element_type3A = arith.extui %lt3A_1 : i1 to i32
    %cond3A = arith.constant 0 : i32
    %cond3A_2 = arith.cmpi ne, %convert_element_type3A, %cond3A : i32
    scf.if %cond3A_2 {
      %broadcast_in_dim3A = arith.constant -1.000000e+09 : f32
      %broadcast_in_dim3A_3 = vector.broadcast %broadcast_in_dim3A : f32 to vector<16xf32>
      %swap3A = arith.constant 0 : index
      %swap3A_4 = tpu.vector_load %arg4[%swap3A] {strides = array<i32>} : memref<2080xf32, #tpu.memory_space<vmem>>, vector<16xf32>,
      tpu.vector_store %arg4[%swap3A], %broadcast_in_dim3A_3 {strides = array<i32>} : memref<2080xf32, #tpu.memory_space<vmem>>, vector<16xf32>,
      %swap3A_5 = arith.constant 2064 : index
      %swap3A_6 = tpu.vector_load %arg4[%swap3A_5] {strides = array<i32>} : memref<2080xf32, #tpu.memory_space<vmem>>, vector<16xf32>,
      tpu.vector_store %arg4[%swap3A_5], %broadcast_in_dim3A_3 {strides = array<i32>} : memref<2080xf32, #tpu.memory_space<vmem>>, vector<16xf32>,
      %mul3A_7 = arith.constant 2048 : i32
      %mul3A_8 = arith.muli %add3A, %mul3A_7 : i32
      "tpu.region"() ({
        %run_scoped3A = tpu.sem_alloc : memref<!tpu.dma_semaphore, #tpu.memory_space<semaphore_mem>>
        %dma_start3A = arith.constant 16 : i32
        %dma_start3A_47 = tpu.memref_slice %arg4[%dma_start3A] : memref<2080xf32, #tpu.memory_space<vmem>> -> memref<2048xf32, #tpu.memory_space<vmem>>
        %dma_start3A_48 = tpu.memref_slice %arg2[%mul3A_8] : memref<32768xf32, #tpu.memory_space<hbm>> -> memref<2048xf32, #tpu.memory_space<hbm>>
        %dma_start3A_49 = arith.constant 16 : i32
        %dma_start3A_50 = tpu.memref_slice %arg4[%dma_start3A_49] : memref<2080xf32, #tpu.memory_space<vmem>> -> memref<2048xf32, #tpu.memory_space<vmem>>
        %dma_start3A_51 = tpu.memref_slice %arg2[%mul3A_8] : memref<32768xf32, #tpu.memory_space<hbm>> -> memref<2048xf32, #tpu.memory_space<hbm>>
        tpu.enqueue_dma source(%dma_start3A_51 : memref<2048xf32, #tpu.memory_space<hbm>>) target(%dma_start3A_50 : memref<2048xf32, #tpu.memory_space<vmem>>) target_semaphore(%run_scoped3A : memref<!tpu.dma_semaphore, #tpu.memory_space<semaphore_mem>>)
        %dma_wait3A = arith.constant 16 : i32
        %dma_wait3A_52 = tpu.memref_slice %arg4[%dma_wait3A] : memref<2080xf32, #tpu.memory_space<vmem>> -> memref<2048xf32, #tpu.memory_space<vmem>>
        %dma_wait3A_53 = tpu.memref_slice %arg2[%mul3A_8] : memref<32768xf32, #tpu.memory_space<hbm>> -> memref<2048xf32, #tpu.memory_space<hbm>>
        %dma_wait3A_54 = arith.constant 16 : i32
        %dma_wait3A_55 = tpu.memref_slice %arg4[%dma_wait3A_54] : memref<2080xf32, #tpu.memory_space<vmem>> -> memref<2048xf32, #tpu.memory_space<vmem>>
        %dma_wait3A_56 = tpu.memref_slice %arg2[%mul3A_8] : memref<32768xf32, #tpu.memory_space<hbm>> -> memref<2048xf32, #tpu.memory_space<hbm>>
        tpu.wait_dma2 semaphore(%run_scoped3A : memref<!tpu.dma_semaphore, #tpu.memory_space<semaphore_mem>>) src(%dma_wait3A_56 : memref<2048xf32, #tpu.memory_space<hbm>>) dst(%dma_wait3A_55 : memref<2048xf32, #tpu.memory_space<vmem>>)
        tpu.yield
      }) : () -> ()
      %iota3A = tpu.iota {dimensions = array<i32: 0>} : vector<16xi32>
      %broadcast_in_dim3A_9 = arith.constant 1 : i32
      %broadcast_in_dim3A_10 = vector.broadcast %broadcast_in_dim3A_9 : i32 to vector<16xi32>
      %broadcast_in_dim3A_11 = arith.constant 0 : i32
      %broadcast_in_dim3A_12 = vector.broadcast %broadcast_in_dim3A_11 : i32 to vector<16xi32>
      %broadcast_in_dim3A_13 = arith.constant 1.000000e+00 : f32
      %broadcast_in_dim3A_14 = vector.broadcast %broadcast_in_dim3A_13 : f32 to vector<16xf32>
      %broadcast_in_dim3A_15 = arith.constant 0.000000e+00 : f32
      %broadcast_in_dim3A_16 = vector.broadcast %broadcast_in_dim3A_15 : f32 to vector<16xf32>
      %eq3A = arith.constant 0 : i32
      %eq3A_17 = vector.broadcast %eq3A : i32 to vector<16xi32>
      %eq3A_18 = arith.cmpi eq, %iota3A, %eq3A_17 : vector<16xi32>
      %select_n3A = arith.select %eq3A_18, %broadcast_in_dim3A_14, %broadcast_in_dim3A_16 : vector<16xi1>, vector<16xf32>
      %get3A = arith.constant 16 : index
      %get3A_19 = tpu.vector_load %arg4[%get3A] {strides = array<i32>} : memref<2080xf32, #tpu.memory_space<vmem>>, vector<16xf32>,
      %get3A_20 = arith.constant 17 : index
      %get3A_21 = tpu.vector_load %arg4[%get3A_20] {strides = array<i32>} : memref<2080xf32, #tpu.memory_space<vmem>>, vector<16xf32>,
      %sub3A = arith.subf %get3A_21, %get3A_19 : vector<16xf32>
      %mul3A_22 = arith.mulf %sub3A, %select_n3A : vector<16xf32>
      %reduce_sum3A = arith.constant true
      %reduce_sum3A_23 = vector.broadcast %reduce_sum3A : i1 to vector<16xi1>
      %reduce_sum3A_24 = tpu.scan <sum>, %mul3A_22 masked %reduce_sum3A_23 : vector<16xf32>, vector<16xi1> -> vector<16xf32>
      %reduce_sum3A_25 = vector.extract %reduce_sum3A_24[15] : f32 from vector<16xf32>
      %mul3A_26 = arith.constant 2.000000e+00 : f32
      %mul3A_27 = arith.mulf %mul3A_26, %reduce_sum3A_25 : f32
      %mul3A_28 = arith.constant 1.000000e-01 : f32
      %mul3A_29 = arith.mulf %reduce_sum3A_25, %mul3A_28 : f32
      %add3A_30 = arith.addf %mul3A_27, %mul3A_29 : f32
      %scan3A = arith.constant 0 : i32
      %scan3A_31 = arith.constant 0 : i32
      %scan3A_32 = arith.constant 128 : i32
      %scan3A_33 = arith.addi %scan3A_31, %scan3A_32 : i32
      %scan3A_34 = arith.constant 1 : i32
      %scan3A_35 = scf.for %scan3A_47 = %scan3A_31 to %scan3A_33 step %scan3A_34 iter_args(%scan3A_48 = %scan3A) -> (i32)  : i32 {
        %mul3A_49 = arith.constant 16 : i32
        %mul3A_50 = arith.muli %scan3A_47, %mul3A_49 : i32
        %add3A_51 = arith.constant 16 : i32
        %add3A_52 = arith.addi %add3A_51, %mul3A_50 : i32
        %get3A_53 = arith.index_cast %add3A_52 : i32 to index
        %get3A_54 = tpu.vector_load %arg4[%get3A_53] {strides = array<i32>} : memref<2080xf32, #tpu.memory_space<vmem>>, vector<16xf32>,
        %mul3A_55 = arith.constant 2048 : i32
        %mul3A_56 = arith.muli %add3A, %mul3A_55 : i32
        %add3A_57 = arith.addi %mul3A_56, %mul3A_50 : i32
        %add3A_58 = vector.broadcast %add3A_57 : i32 to vector<16xi32>
        %add3A_59 = arith.addi %add3A_58, %iota3A : vector<16xi32>
        %broadcast_in_dim3A_60 = arith.constant 0 : i32
        %broadcast_in_dim3A_61 = vector.broadcast %broadcast_in_dim3A_60 : i32 to vector<16xi32>
        %add3A_62 = arith.constant 16 : i32
        %add3A_63 = arith.addi %add3A_62, %mul3A_50 : i32
        %add3A_64 = arith.constant -2 : i32
        %add3A_65 = arith.addi %add3A_63, %add3A_64 : i32
        %get3A_66 = arith.index_cast %add3A_65 : i32 to index
        %get3A_67 = tpu.vector_load %arg4[%get3A_66] {strides = array<i32>} : memref<2080xf32, #tpu.memory_space<vmem>>, vector<16xf32>,
        %sub3A_68 = arith.subf %get3A_67, %get3A_54 : vector<16xf32>
        %abs3A = math.absf %sub3A_68 : vector<16xf32>
        %le3A = vector.broadcast %add3A_30 : f32 to vector<16xf32>
        %le3A_69 = arith.cmpf ole, %abs3A, %le3A : vector<16xf32>
        %select_n3A_70 = arith.select %le3A_69, %broadcast_in_dim3A_10, %broadcast_in_dim3A_12 : vector<16xi1>, vector<16xi32>
        %add3A_71 = arith.addi %broadcast_in_dim3A_61, %select_n3A_70 : vector<16xi32>
        %add3A_72 = arith.constant 16 : i32
        %add3A_73 = arith.addi %add3A_72, %mul3A_50 : i32
        %add3A_74 = arith.constant -1 : i32
        %add3A_75 = arith.addi %add3A_73, %add3A_74 : i32
        %get3A_76 = arith.index_cast %add3A_75 : i32 to index
        %get3A_77 = tpu.vector_load %arg4[%get3A_76] {strides = array<i32>} : memref<2080xf32, #tpu.memory_space<vmem>>, vector<16xf32>,
        %sub3A_78 = arith.subf %get3A_77, %get3A_54 : vector<16xf32>
        %abs3A_79 = math.absf %sub3A_78 : vector<16xf32>
        %le3A_80 = vector.broadcast %add3A_30 : f32 to vector<16xf32>
        %le3A_81 = arith.cmpf ole, %abs3A_79, %le3A_80 : vector<16xf32>
        %select_n3A_82 = arith.select %le3A_81, %broadcast_in_dim3A_10, %broadcast_in_dim3A_12 : vector<16xi1>, vector<16xi32>
        %add3A_83 = arith.addi %add3A_71, %select_n3A_82 : vector<16xi32>
        %add3A_84 = arith.constant 16 : i32
        %add3A_85 = arith.addi %add3A_84, %mul3A_50 : i32
        %add3A_86 = arith.constant 1 : i32
        %add3A_87 = arith.addi %add3A_85, %add3A_86 : i32
        %get3A_88 = arith.index_cast %add3A_87 : i32 to index
        %get3A_89 = tpu.vector_load %arg4[%get3A_88] {strides = array<i32>} : memref<2080xf32, #tpu.memory_space<vmem>>, vector<16xf32>,
        %sub3A_90 = arith.subf %get3A_89, %get3A_54 : vector<16xf32>
        %abs3A_91 = math.absf %sub3A_90 : vector<16xf32>
        %le3A_92 = vector.broadcast %add3A_30 : f32 to vector<16xf32>
        %le3A_93 = arith.cmpf ole, %abs3A_91, %le3A_92 : vector<16xf32>
        %select_n3A_94 = arith.select %le3A_93, %broadcast_in_dim3A_10, %broadcast_in_dim3A_12 : vector<16xi1>, vector<16xi32>
        %add3A_95 = arith.addi %add3A_83, %select_n3A_94 : vector<16xi32>
        %add3A_96 = arith.constant 16 : i32
        %add3A_97 = arith.addi %add3A_96, %mul3A_50 : i32
        %add3A_98 = arith.constant 2 : i32
        %add3A_99 = arith.addi %add3A_97, %add3A_98 : i32
        %get3A_100 = arith.index_cast %add3A_99 : i32 to index
        %get3A_101 = tpu.vector_load %arg4[%get3A_100] {strides = array<i32>} : memref<2080xf32, #tpu.memory_space<vmem>>, vector<16xf32>,
        %sub3A_102 = arith.subf %get3A_101, %get3A_54 : vector<16xf32>
        %abs3A_103 = math.absf %sub3A_102 : vector<16xf32>
        %le3A_104 = vector.broadcast %add3A_30 : f32 to vector<16xf32>
        %le3A_105 = arith.cmpf ole, %abs3A_103, %le3A_104 : vector<16xf32>
        %select_n3A_106 = arith.select %le3A_105, %broadcast_in_dim3A_10, %broadcast_in_dim3A_12 : vector<16xi1>, vector<16xi32>
        %add3A_107 = arith.addi %add3A_95, %select_n3A_106 : vector<16xi32>
        %broadcast_in_dim3A_108 = arith.constant true
        %broadcast_in_dim3A_109 = vector.broadcast %broadcast_in_dim3A_108 : i1 to vector<16xi1>
        %masked_cumsum3A = tpu.scan <sum>, %add3A_107 masked %broadcast_in_dim3A_109 : vector<16xi32>, vector<16xi1> -> vector<16xi32>
        %add3A_110 = vector.broadcast %scan3A_48 : i32 to vector<16xi32>
        %add3A_111 = arith.addi %add3A_110, %masked_cumsum3A : vector<16xi32>
        %sub3A_112 = arith.subi %add3A_111, %add3A_107 : vector<16xi32>
        %broadcast_in_dim3A_113 = arith.constant 0 : i32
        %broadcast_in_dim3A_114 = vector.broadcast %broadcast_in_dim3A_113 : i32 to vector<16xi32>
        %add3A_115 = arith.addi %sub3A_112, %broadcast_in_dim3A_114 : vector<16xi32>
        %add3A_116 = arith.constant -2 : i32
        %add3A_117 = vector.broadcast %add3A_116 : i32 to vector<16xi32>
        %add3A_118 = arith.addi %add3A_59, %add3A_117 : vector<16xi32>
        tpu.vector_store_idx %arg5[%add3A_115], %add3A_118 masked %le3A_69 : memref<8192xi32, #tpu.memory_space<vmem>>[vector<16xi32>], vector<16xi32>, vector<16xi1>
        tpu.vector_store_idx %arg6[%add3A_115], %add3A_59 masked %le3A_69 : memref<8192xi32, #tpu.memory_space<vmem>>[vector<16xi32>], vector<16xi32>, vector<16xi1>
        %select_n3A_119 = arith.select %le3A_69, %broadcast_in_dim3A_10, %broadcast_in_dim3A_12 : vector<16xi1>, vector<16xi32>
        %add3A_120 = arith.addi %broadcast_in_dim3A_114, %select_n3A_119 : vector<16xi32>
        %add3A_121 = arith.addi %sub3A_112, %add3A_120 : vector<16xi32>
        %add3A_122 = arith.constant -1 : i32
        %add3A_123 = vector.broadcast %add3A_122 : i32 to vector<16xi32>
        %add3A_124 = arith.addi %add3A_59, %add3A_123 : vector<16xi32>
        tpu.vector_store_idx %arg5[%add3A_121], %add3A_124 masked %le3A_81 : memref<8192xi32, #tpu.memory_space<vmem>>[vector<16xi32>], vector<16xi32>, vector<16xi1>
        tpu.vector_store_idx %arg6[%add3A_121], %add3A_59 masked %le3A_81 : memref<8192xi32, #tpu.memory_space<vmem>>[vector<16xi32>], vector<16xi32>, vector<16xi1>
        %select_n3A_125 = arith.select %le3A_81, %broadcast_in_dim3A_10, %broadcast_in_dim3A_12 : vector<16xi1>, vector<16xi32>
        %add3A_126 = arith.addi %add3A_120, %select_n3A_125 : vector<16xi32>
        %add3A_127 = arith.addi %sub3A_112, %add3A_126 : vector<16xi32>
        %add3A_128 = arith.constant 1 : i32
        %add3A_129 = vector.broadcast %add3A_128 : i32 to vector<16xi32>
        %add3A_130 = arith.addi %add3A_59, %add3A_129 : vector<16xi32>
        tpu.vector_store_idx %arg5[%add3A_127], %add3A_130 masked %le3A_93 : memref<8192xi32, #tpu.memory_space<vmem>>[vector<16xi32>], vector<16xi32>, vector<16xi1>
        tpu.vector_store_idx %arg6[%add3A_127], %add3A_59 masked %le3A_93 : memref<8192xi32, #tpu.memory_space<vmem>>[vector<16xi32>], vector<16xi32>, vector<16xi1>
        %select_n3A_131 = arith.select %le3A_93, %broadcast_in_dim3A_10, %broadcast_in_dim3A_12 : vector<16xi1>, vector<16xi32>
        %add3A_132 = arith.addi %add3A_126, %select_n3A_131 : vector<16xi32>
        %add3A_133 = arith.addi %sub3A_112, %add3A_132 : vector<16xi32>
        %add3A_134 = arith.constant 2 : i32
        %add3A_135 = vector.broadcast %add3A_134 : i32 to vector<16xi32>
        %add3A_136 = arith.addi %add3A_59, %add3A_135 : vector<16xi32>
        tpu.vector_store_idx %arg5[%add3A_133], %add3A_136 masked %le3A_105 : memref<8192xi32, #tpu.memory_space<vmem>>[vector<16xi32>], vector<16xi32>, vector<16xi1>
        tpu.vector_store_idx %arg6[%add3A_133], %add3A_59 masked %le3A_105 : memref<8192xi32, #tpu.memory_space<vmem>>[vector<16xi32>], vector<16xi32>, vector<16xi1>
        %select_n3A_137 = arith.select %le3A_105, %broadcast_in_dim3A_10, %broadcast_in_dim3A_12 : vector<16xi1>, vector<16xi32>
        %add3A_138 = arith.addi %add3A_132, %select_n3A_137 : vector<16xi32>
        %reduce_sum3A_139 = arith.constant true
        %reduce_sum3A_140 = vector.broadcast %reduce_sum3A_139 : i1 to vector<16xi1>
        %reduce_sum3A_141 = tpu.scan <sum>, %add3A_107 masked %reduce_sum3A_140 : vector<16xi32>, vector<16xi1> -> vector<16xi32>
        %reduce_sum3A_142 = vector.extract %reduce_sum3A_141[15] : i32 from vector<16xi32>
        %add3A_143 = arith.addi %scan3A_48, %reduce_sum3A_142 : i32
        scf.yield %add3A_143 : i32
      }
      %scan3A_36 = arith.constant 128 : i32
      %mul3A_37 = arith.constant 2 : i32
      %mul3A_38 = arith.muli %mul3A_37, %add3A : i32
      %mul3A_39 = arith.constant 8192 : i32
      %mul3A_40 = arith.muli %mul3A_38, %mul3A_39 : i32
      "tpu.region"() ({
        %run_scoped3A = tpu.sem_alloc : memref<!tpu.dma_semaphore, #tpu.memory_space<semaphore_mem>>
        %dma_start3A = tpu.memref_slice %arg3[%mul3A_40] : memref<262144xi32, #tpu.memory_space<hbm>> -> memref<8192xi32, #tpu.memory_space<hbm>>
        %dma_start3A_47 = tpu.memref_slice %arg3[%mul3A_40] : memref<262144xi32, #tpu.memory_space<hbm>> -> memref<8192xi32, #tpu.memory_space<hbm>>
        tpu.enqueue_dma source(%arg5 : memref<8192xi32, #tpu.memory_space<vmem>>) target(%dma_start3A_47 : memref<8192xi32, #tpu.memory_space<hbm>>) target_semaphore(%run_scoped3A : memref<!tpu.dma_semaphore, #tpu.memory_space<semaphore_mem>>)
        %dma_wait3A = tpu.memref_slice %arg3[%mul3A_40] : memref<262144xi32, #tpu.memory_space<hbm>> -> memref<8192xi32, #tpu.memory_space<hbm>>
        %dma_wait3A_48 = tpu.memref_slice %arg3[%mul3A_40] : memref<262144xi32, #tpu.memory_space<hbm>> -> memref<8192xi32, #tpu.memory_space<hbm>>
        tpu.wait_dma2 semaphore(%run_scoped3A : memref<!tpu.dma_semaphore, #tpu.memory_space<semaphore_mem>>) src(%arg5 : memref<8192xi32, #tpu.memory_space<vmem>>) dst(%dma_wait3A_48 : memref<8192xi32, #tpu.memory_space<hbm>>)
        tpu.yield
      }) : () -> ()
      %mul3A_41 = arith.constant 2 : i32
      %mul3A_42 = arith.muli %mul3A_41, %add3A : i32
      %add3A_43 = arith.constant 1 : i32
      %add3A_44 = arith.addi %mul3A_42, %add3A_43 : i32
      %mul3A_45 = arith.constant 8192 : i32
      %mul3A_46 = arith.muli %add3A_44, %mul3A_45 : i32
      "tpu.region"() ({
        %run_scoped3A = tpu.sem_alloc : memref<!tpu.dma_semaphore, #tpu.memory_space<semaphore_mem>>
        %dma_start3A = tpu.memref_slice %arg3[%mul3A_46] : memref<262144xi32, #tpu.memory_space<hbm>> -> memref<8192xi32, #tpu.memory_space<hbm>>
        %dma_start3A_47 = tpu.memref_slice %arg3[%mul3A_46] : memref<262144xi32, #tpu.memory_space<hbm>> -> memref<8192xi32, #tpu.memory_space<hbm>>
        tpu.enqueue_dma source(%arg6 : memref<8192xi32, #tpu.memory_space<vmem>>) target(%dma_start3A_47 : memref<8192xi32, #tpu.memory_space<hbm>>) target_semaphore(%run_scoped3A : memref<!tpu.dma_semaphore, #tpu.memory_space<semaphore_mem>>)
        %dma_wait3A = tpu.memref_slice %arg3[%mul3A_46] : memref<262144xi32, #tpu.memory_space<hbm>> -> memref<8192xi32, #tpu.memory_space<hbm>>
        %dma_wait3A_48 = tpu.memref_slice %arg3[%mul3A_46] : memref<262144xi32, #tpu.memory_space<hbm>> -> memref<8192xi32, #tpu.memory_space<hbm>>
        tpu.wait_dma2 semaphore(%run_scoped3A : memref<!tpu.dma_semaphore, #tpu.memory_space<semaphore_mem>>) src(%arg6 : memref<8192xi32, #tpu.memory_space<vmem>>) dst(%dma_wait3A_48 : memref<8192xi32, #tpu.memory_space<hbm>>)
        tpu.yield
      }) : () -> ()
    } else {
    }
    return
  }
}

</mosaic_0001>

<sc_bundles>
// kernel: _edge_call.3.cloned.1.call-start
scs
__scs_entry_jumppad:
0x0: {  	(pc) =	sbr.rel $0x88, $3  }
0x1: {  	(tag) =	ssettag $0x0;
	lr =	simm.s32 $0x1  }
0x2: {  	[smem:$0x3FA0] =	sst lr;
	_ =	strace $0xD0000000  }
0x3: {  	_ = 	snop  }
0x4: {  	_ = 	snop  }
0x5: {  	_ = 	snop  }
0x6: {  	_ = 	snop  }
0x7: {  	_ = 	snop  }
__scs_overlays_trampoline_lowered:
0x8: {  	[smem:$0x3FAF] =	sst s0  }
0x9: {  	[smem:$0x3FB0] =	sst s1  }
0xa: {  	[smem:$0x3FB1] =	sst s2  }
0xb: {  	[smem:$0x3FB2] =	sst s3  }
0xc: {  	[smem:$0x3FB3] =	sst s4  }
0xd: {  	[smem:$0x3FB4] =	sst s5  }
0xe: {  	[smem:$0x3FB5] =	sst s6  }
0xf: {  	[smem:$0x3FB6] =	sst s7  }
0x10: {  	[smem:$0x3FB7] =	sst s8  }
0x11: {  	[smem:$0x3FB8] =	sst s9;
	s0 =	simm.s32 @!p0 $0x0  }
0x12: {  	s1 =	sld [smem:$0x3F9E];
	s0 =	simm.s32 @p0 $0x1  }
0x13: {  	[smem:$0x3FB9] =	sst s0;
	s0 =	simm.s32 @!p1 $0x0  }
0x14: {  	s2 =	sld [smem:$0x3F9D];
	s0 =	simm.s32 @p1 $0x1  }
0x15: {  	[smem:$0x3FBA] =	sst s0;
	s0 =	simm.s32 @!p2 $0x0  }
0x16: {  	s3 =	sld [smem:$0x3FDB];
	s0 =	simm.s32 @p2 $0x1  }
0x17: {  	s4 =	simm.s32 $0x1BF5;
	[smem:$0x3FBC] =	sst s0  }
0x18: {  	s0 =	sld [smem:$0x3F9F];
	_ =	swait.ge [sflag:s4], $0x0  }
0x19: {  	s7 =	sld [smem:$0x3FA0]  }
0x1a: {  	s8 =	sadd.s32 $0xFFFFE003, lr  }
0x1b: {  	s9 =	sadd.s32 $0xFFFFFEF7, lr;
	s5 =	simm.s32 $0xFFFFFFFF;
	p2 =	slt.u32 s8, $0xFFFFF086  }
0x1c: {  	p1 =	slt.u32 s9, $0xF7A;
	s5 =	simm.s32 @!p2 $0x0  }
0x1d: {  	s5 =	simm.s32 @p1 $0x1;
	p0 =	seq.s32 s7, s2  }
0x1e: {  	s7 =	smul.u32 @!p0 $0xF7A, s2;
	p2 =	seq.s32 @!p0 s5, $0x0  }
0x1f: {  	s9 =	smul.u32 $0xF7A, s1;
	s8 =	simm.s32 @!p0 $0x1BF5;
	p2 =	por !p2, p0  }
0x20: {  	[sflag:s8] =	ssyncset.s32 @!p0 $0xFFFFF086;
	s6 =	sadd.s32 @!p0 s3, s7;
	s7 =	simm.s32 @!p0 $0x108  }
0x21: {  	s3 =	sadd.s32 s3, s9;
	s6 =	sadd.s32 @!p0 $0x88, s6;
	s7 =	simm.s32 @p2 $0x1082  }
0x22: {  	[simem:s7], [sflag:s8] =	dma.local @!p0 [hbm:s6], $0xF7A  }
0x23: {  	s9 =	sor.u32 $0xD0000000, s2;
	s6 =	simm.s32 $0x108;
	_ =	swait.ge @!p0 [sflag:s8], $0x0  }
0x24: {  	s3 =	sadd.s32 $0x88, s3;
	s6 =	simm.s32 @!p1 $0x1082;
	[sflag:s4] =	ssyncset.s32 $0xFFFFF086  }
0x25: {  	[simem:s6], [sflag:s4] =	dma.local [hbm:s3], $0xF7A  }
0x26: {  	[smem:$0x3FA0] =	sst s1;
	(tag) =	ssettag s2;
	_ =	strace s9  }
0x27: {  	s1 =	sld [smem:$0x3FB0]  }
0x28: {  	s2 =	sld [smem:$0x3FB1]  }
0x29: {  	s4 =	sld [smem:$0x3FB3]  }
0x2a: {  	p0 =	seq.s32 s5, $0x0;
	s5 =	sld [smem:$0x3FB4]  }
0x2b: {  	s6 =	sld [smem:$0x3FB5]  }
0x2c: {  	s7 =	sld [smem:$0x3FB6]  }
0x2d: {  	s3 =	simm.s32 $0x108;
	s8 =	sld [smem:$0x3FB7]  }
0x2e: {  	s3 =	simm.s32 @!p0 $0x1082;
	s9 =	sld [smem:$0x3FB8]  }
0x2f: {  	lr =	sadd.s32 s0, s3;
	s0 =	sld [smem:$0x3FAF]  }
0x30: {  	s3 =	sld [smem:$0x3FB2]  }
0x31: {  	[smem:$0x3FBB] =	sst s10  }
0x32: {  	s10 =	sld [smem:$0x3FB9];
	_ =	sdelay $0x3  }
0x33: {  	p0 =	seq.s32 s10, $0x1;
	s10 =	sld [smem:$0x3FBB];
	_ =	sdelay $0x3  }
0x34: {  	[smem:$0x3FBB] =	sst s10  }
0x35: {  	s10 =	sld [smem:$0x3FBA];
	_ =	sdelay $0x3  }
0x36: {  	p1 =	seq.s32 s10, $0x1;
	s10 =	sld [smem:$0x3FBB];
	_ =	sdelay $0x3  }
0x37: {  	[smem:$0x3FBB] =	sst s10  }
0x38: {  	s10 =	sld [smem:$0x3FBC]  }
0x39: {  	_ = 	snop;
	(pc) =	sbr.ind lr, $3  }
0x3a: {  	_ = 	snop  }
0x3b: {  	_ = 	snop  }
0x3c: {  	p2 =	seq.s32 s10, $0x1;
	s10 =	sld [smem:$0x3FBB]  }
0x3d: {  	_ =	shalt  }
0x3e: {  	_ =	shalt  }
0x3f: {  	_ =	shalt  }
0x40: {  	_ =	shalt  }
0x41: {  	_ =	shalt  }
0x42: {  	_ =	shalt  }
0x43: {  	_ =	shalt  }
0x44: {  	_ =	shalt  }
0x45: {  	_ =	shalt  }
0x46: {  	_ =	shalt  }
0x47: {  	_ =	shalt  }
0x48: {  	_ =	shalt  }
0x49: {  	_ =	shalt  }
0x4a: {  	_ =	shalt  }
0x4b: {  	_ =	shalt  }
0x4c: {  	_ =	shalt  }
0x4d: {  	_ =	shalt  }
0x4e: {  	_ =	shalt  }
0x4f: {  	_ =	shalt  }
0x50: {  	_ =	shalt  }
0x51: {  	_ =	shalt  }
0x52: {  	_ =	shalt  }
0x53: {  	_ =	shalt  }
0x54: {  	_ =	shalt  }
0x55: {  	_ =	shalt  }
0x56: {  	_ =	shalt  }
0x57: {  	_ =	shalt  }
0x58: {  	_ =	shalt  }
0x59: {  	_ =	shalt  }
0x5a: {  	_ =	shalt  }
0x5b: {  	_ =	shalt  }
0x5c: {  	_ =	shalt  }
0x5d: {  	_ =	shalt  }
0x5e: {  	_ =	shalt  }
0x5f: {  	_ =	shalt  }
0x60: {  	_ =	shalt  }
0x61: {  	_ =	shalt  }
0x62: {  	_ =	shalt  }
0x63: {  	_ =	shalt  }
0x64: {  	_ =	shalt  }
0x65: {  	_ =	shalt  }
0x66: {  	_ =	shalt  }
0x67: {  	_ =	shalt  }
0x68: {  	_ =	shalt  }
0x69: {  	_ =	shalt  }
0x6a: {  	_ =	shalt  }
0x6b: {  	_ =	shalt  }
0x6c: {  	_ =	shalt  }
0x6d: {  	_ =	shalt  }
0x6e: {  	_ =	shalt  }
0x6f: {  	_ =	shalt  }
0x70: {  	_ =	shalt  }
0x71: {  	_ =	shalt  }
0x72: {  	_ =	shalt  }
0x73: {  	_ =	shalt  }
0x74: {  	_ =	shalt  }
0x75: {  	_ =	shalt  }
0x76: {  	_ =	shalt  }
0x77: {  	_ =	shalt  }
0x78: {  	_ =	shalt  }
0x79: {  	_ =	shalt  }
0x7a: {  	_ =	shalt  }
0x7b: {  	_ =	shalt  }
0x7c: {  	_ =	shalt  }
0x7d: {  	_ =	shalt  }
0x7e: {  	_ =	shalt  }
0x7f: {  	_ =	shalt  }
0x80: {  	_ =	shalt  }
0x81: {  	_ =	shalt  }
0x82: {  	_ =	shalt  }
0x83: {  	_ =	shalt  }
0x84: {  	_ =	shalt  }
0x85: {  	_ =	shalt  }
0x86: {  	_ =	shalt  }
0x87: {  	_ =	shalt  }
.Lfunc_end0:
.L_simem_size_0:
called_computation_lowered:
.L_overlay_start_0:
0x88: {  	s2 =	sld [smem:$0x3FD9]  }
0x89: {  	s3 =	sld [smem:$0x3FFE];
	_ =	sdelay $0x1  }
0x8a: {  	s1 =	srdreg.scid  }
0x8b: {  	s0 =	sand.u32 $0x1, s1  }
0x8c: {  	s18 =	sshll.u32 s0, $0xA;
	s2 =	sadd.s32 s3, s2  }
0x8d: {  	s2 =	sadd.s32 s2, s18  }
0x8e: {  	[smem:$0x3FC7] =	sst s2  }
0x8f: {  	_ = 	snop  }
0x90: {  	s2 =	sld [smem:$0x3FC9]  }
0x91: {  	s19 =	sld [smem:$0x3FD0];
	(tm) =	ssettm $0x1  }
0x92: {  	s4 =	sld [smem:$0x3FFB];
	_ =	sdelay $0x3  }
0x93: {  	_ =	strace s4  }
0x94: {  	s4 =	sld [smem:$0x3FFC];
	_ =	sdelay $0x3  }
0x95: {  	_ =	strace s4  }
0x96: {  	s4 =	sld [smem:$0x3FFD];
	_ =	sdelay $0x3  }
0x97: {  	_ =	strace s4  }
0x98: {  	_ =	strace $0x8FFFFFFF  }
0x99: {  	s20 =	sld [smem:$0x3FDB];
	_ =	sdelay $0x1  }
0x9a: {  	s5 =	simm.s32 $_scs_section_size  }
0x9b: {  	s6 =	simm.s32 $_size__tile_overlayer_lowered;
	s7 =	simm.s32 $_tile_overlayer_lowered  }
0x9c: {  	s23 =	simm.s32 $0x1BFF;
	s22 =	sshll.u32 s7, $0x1;
	s4 =	sadd.s32 s5, s20  }
0x9d: {  	s8 =	simm.s32 $0x0;
	s21 =	sshll.u32 s6, $0x1;
	s6 =	sadd.s32 s22, s4  }
0x9e: {  	[timem:s8], [sflag:s23] =	dma.local [hbm:s6], s21  }
0x9f: {  	_ =	swait.ge [sflag:s23], s21  }
0xa0: {  	s5 =	ssub.s32 $0x0, s21;
	[sflag:s23] =	ssyncset.done $0x0  }
0xa1: {  	[sflag:s23] =	ssyncadd.s32 s5;
	_ =	sdelay $0x1  }
0xa2: {  	s24 =	simm.s32 $0x1B8B  }
0xa3: {  	_ =	swait.ge [sflag:s24], $0x1  }
0xa4: {  	[sflag:s24] =	ssyncset.done $0x0  }
0xa5: {  	s25 =	simm.s32 $0x1B8E;
	[sflag:s24] =	ssyncadd.s32 $0xFFFFFFFF  }
0xa6: {  	s26 =	simm.s32 $execute0_lowered;
	[smem:$0x3FD2] =	sst s25  }
0xa7: {  	s5 =	sshll.u32 s26, $0x1;
	_ =	strace $0x80000046;
	[dreg:$0x1] =	wrdreg $0xFFFFFFFF  }
0xa8: {  	s28 =	simm.s32 $_size_execute0_lowered;
	s4 =	sadd.s32 s4, s5;
	[dreg:$0x0] =	wrdreg $0x0  }
0xa9: {  	s5 =	sshll.u32 s28, $0x1;
	[dreg:$0x2] =	wrdreg s4  }
0xaa: {  	[dreg:$0x3] =	wrdreg s5  }
0xab: {  	[dreg:$0x4] =	wrdreg $0xC0  }
0xac: {  	_ =	task [dreg:s8], $0x5FFFF  }
0xad: {  	[dreg:$0x1] =	wrdreg $0xFFFFFFFF  }
0xae: {  	[dreg:$0x0] =	wrdreg $0x60  }
0xaf: {  	[dreg:$0x2] =	wrdreg s2  }
0xb0: {  	[dreg:$0x3] =	wrdreg s19  }
0xb1: {  	[dreg:$0x4] =	wrdreg $0x9  }
0xb2: {  	_ =	task.clear_ibuf [dreg:s8], $0x5FFFF;
	_ =	strace $0x90000046  }
0xb3: {  	s29 =	simm.s32 $0x9;
	_ =	strace $0x80000048  }
0xb4: {  	_ =	swait.ge [sflag:s29], $0x1  }
0xb5: {  	[sflag:s29] =	ssyncadd.s32 $0xFFFFFFFF  }
0xb6: {  	_ =	strace $0x90000048  }
0xb7: {  	_ =	sfence  }
0xb8: {  	s30 =	sld [smem:$0x0];
	_ =	sdelay $0x2  }
0xb9: {  	s31 =	sshll.u32 s1, $0xD;
	s1 =	sshrl.u32 s1, $0x2  }
0xba: {  	s3 =	sand.u32 $0x4000, s31;
	s1 =	sadd.s32 s1, s30  }
0xbb: {  	s0 =	sor.u32 s3, s0;
	s1 =	sshll.u32 s1, $0x11  }
0xbc: {  	s0 =	sor.u32 s1, s0  }
0xbd: {  	s0 =	sadd.s32 $0x8F2B, s0  }
0xbe: {  	[sflag:s0] =	ssyncadd.remote.s32 $0x1  }
0xbf: {  	_ =	sfence.sel $0xFFFF  }
0xc0: {  	[dreg:$0x0] =	wrdreg $0xFFFFFFFF;
	(pc) =	sbr.abs _section_cstart, $3  }
0xc1: {  	[dreg:$0x1] =	wrdreg $0xFFFFFFFF  }
0xc2: {  	_ =	task.clear_ibuf [dreg:s8], $0x2FFFF;
	_ =	strace $0x9FFFFFFF  }
0xc3: {  	(tm) =	ssettm $0x7FFFFFFF  }
tec
execute0_lowered:
.L_overlay_start_1:
0x0: {  	(tag) =	ssettag $0x1  }
0x1: {  	s1 =	stileid.u32  }
0x2: {  	p0 =	sgt.u32 s1, $0x7  }
.Ltmp0:
0x3: {  	_ = 	snop;
	(pc) =	sbr.rel @p0 .LBB2_5-.Ltmp0, $4  }
0x4: {  	s5 =	rddreg [dreg:$0x0]  }
0x5: {  	s3 =	rddreg [dreg:$0x1];
	s2 =	simm.s32 $0x0  }
0x6: {  	[smem:$0x7FF] =	sst s2  }
0x7: {  	s0 =	rddreg [dreg:$0x2];
	_ =	strace $0x80000047  }
0x8: {  	s4 =	srdreg.scid;
	s29 =	sshll.u32 s1, $0x1;
	s31 =	sshll.u32 s1, $0xC  }
0x9: {  	s10 =	simm.s32 $0x880;
	s11 =	simm.s32 $0x2880;
	s7 =	sand.u32 $0x1, s4  }
0xa: {  	s12 =	simm.s32 $0x0;
	s4 =	sor.u32 s7, s29;
	s8 =	ssub.s32 $0x2, s7  }
0xb: {  	v0 =	vimm.f32 $-1.000000000e+09;
	s7 =	sshll.u32 s7, $0xB;
	s6 =	sshll.u32 s4, $0xB;
	s30 =	sshrl.u32 s8, $0x1  }
0xc: {  	v2 =	vimm.f32 $0.0e+00;
	vm0 =	vcmask $0x300;
	v1 =	vlaneseq.u32;
	s9 =	sshll.u32 s4, $0x8;
	s7 =	sor.u32 s7, s31;
	s3 =	sadd.s32 s3, s6  }
0xd: {  	v3 =	vimm.s32 $0x0;
	v2 =	vsel vm0, $0x3F800000, v2;
	v4 =	vadd.s32 $0xFFFFFFFE, v1;
	s6 =	ssub.s32 s8, s30;
	s5 =	sadd.s32 s5, s9;
	s8 =	simm.s32 $0x10  }
0xe: {  	v5 =	vadd.s32 $0xFFFFFFFF, v1;
	v6 =	vadd.s32 $0x1, v1;
	v7 =	vadd.s32 $0x2, v1;
	s9 =	simm.s32 $0x1;
	s4 =	sadd.s32 $0x400, s3;
	s6 =	smax.u32 s6, $0x1  }
.LBB2_2:
0xf: {  	[tilespmem:$0x0] =	vst v0  }
0x10: {  	[tilespmem:$0x810] =	vst v0;
	s13 =	simm.s32 $0x0  }
0x11: {  	[tilespmem:s8], [sflag:$0x1] =	stream.linear.gather [hbm4b:s5+s13], $0x800, $0x38;
	[tilespmem:$0x4880] =	vst v63  }
0x12: {  	_ =	swait.ge [sflag:s9], $0x800  }
0x13: {  	[sflag:s9] =	ssyncset.done $0x0  }
0x14: {  	[sflag:s9] =	ssyncadd.s32 $0xFFFFF800  }
0x15: {  	v8 =	vld [tilespmem:$0x10]  }
0x16: {  	v9 =	vld [tilespmem:$0x11];
	_ =	sdelay $0x4  }
0x17: {  	v8 =	vsub.f32 v9, v8;
	_ =	sdelay $0x1  }
0x18: {  	v8 =	vmul.f32 v2, v8;
	_ =	sdelay $0x1  }
0x19: {  	(xrf2) =	vadd.scan.msk.f32 $0xffff, v8;
	_ =	sdelay $0x9  }
0x1a: {  	v8, _, _ =	vpop (xrf2)  }
0x1b: {  	(v2sf) =	vpush v8, $0xF;
	_ =	sdelay $0xe  }
0x1c: {  	s14 =	spop (v2sf)  }
0x1d: {  	s15 =	simm.s32 $0x12;
	s16 =	sadd.f32 s14, s14;
	s14 =	smul.f32 $1.000000010e-01, s14  }
0x1e: {  	v10 =	vld [tilespmem:s15+$0xFFFFFFFC]  }
0x1f: {  	v9 =	vld [tilespmem:s15+$0xFFFFFFFE];
	s14 =	sadd.f32 s14, s16  }
0x20: {  	v11 =	vld [tilespmem:s15+$0xFFFFFFFD]  }
0x21: {  	v12 =	vld [tilespmem:s15+$0xFFFFFFFF];
	s16 =	simm.s32 $0x10;
	v8 =	vmov s14;
	s14 =	simm.s32 $0x0  }
.LBB2_3:
0x22: {  	p0 =	sne.s32 s16, $0x7F0;
	v13 =	vld [tilespmem:s15+$0x0];
	s17 =	smov.u32 s16;
	s16 =	sadd.s32 $0x10, s16  }
0x23: {  	_ = 	snop  }
0x24: {  	v10 =	vsub.f32 v10, v9  }
0x25: {  	v11 =	vsub.f32 v11, v9  }
0x26: {  	v10 =	vand.u32 $0x7FFFFFFF, v10;
	v12 =	vsub.f32 v12, v9  }
0x27: {  	vm3 =	vle.f32 v10, v8;
	v10 =	vand.u32 $0x7FFFFFFF, v11;
	v9 =	vsub.f32 v13, v9  }
0x28: {  	v11 =	vsel vm3, $0x1, v3;
	vm2 =	vle.f32 v10, v8;
	v10 =	vand.u32 $0x7FFFFFFF, v12  }
0x29: {  	v12 =	vsel vm2, $0x1, v3;
	vm0 =	vle.f32 v10, v8;
	v9 =	vand.u32 $0x7FFFFFFF, v9  }
0x2a: {  	v10 =	vadd.s32 v11, v12;
	v12 =	vsel vm0, $0x1, v3;
	vm1 =	vle.f32 v9, v8  }
0x2b: {  	v9 =	vadd.s32 v12, v10;
	v12 =	vsel vm1, $0x1, v3  }
0x2c: {  	v12 =	vadd.s32 v12, v9  }
0x2d: {  	(xrf0) =	vadd.scan.msk.s32 $0xffff, v12;
	_ =	sdelay $0x5  }
0x2e: {  	v12 =	vsub.s32 s13, v12;
	v13, _, _ =	vpop (xrf0)  }
0x2f: {  	v12 =	vadd.s32 v13, v12;
	(v2sf) =	vpush v13, $0xF;
	_ =	sdelay $0x1  }
0x30: {  	v11 =	vadd.s32 v11, v12  }
0x31: {  	s18 =	sadd.s32 s14, s7;
	s14 =	smov.u32 s17  }
0x32: {  	v13 =	vadd.s32 s18, v4;
	v10 =	vadd.s32 v10, v12  }
0x33: {  	v14 =	vor.u32 s18, v1;
	[tilespmem:v12+s10+$0x0] =	vst.idx.msk vm3, v13  }
0x34: {  	v9 =	vadd.s32 v9, v12;
	v13 =	vadd.s32 s18, v5;
	[tilespmem:v12+s11+$0x0] =	vst.idx.msk vm3, v14  }
0x35: {  	[tilespmem:v11+s10+$0x0] =	vst.idx.msk vm2, v13  }
0x36: {  	[tilespmem:v11+s11+$0x0] =	vst.idx.msk vm2, v14;
	v11 =	vadd.s32 s18, v6  }
0x37: {  	[tilespmem:v10+s10+$0x0] =	vst.idx.msk vm0, v11  }
0x38: {  	[tilespmem:v10+s11+$0x0] =	vst.idx.msk vm0, v14;
	v10 =	vadd.s32 s18, v7  }
0x39: {  	[tilespmem:v9+s10+$0x0] =	vst.idx.msk vm1, v10  }
.Ltmp1:
0x3a: {  	s15 =	sadd.s32 $0x10, s15;
	[tilespmem:v9+s11+$0x0] =	vst.idx.msk vm1, v14;
	(pc) =	sbr.rel @p0 .LBB2_3-.Ltmp1, $4  }
0x3b: {  	v10 =	vld [tilespmem:s15+$0xFFFFFFFC]  }
0x3c: {  	v9 =	vld [tilespmem:s15+$0xFFFFFFFE]  }
0x3d: {  	v11 =	vld [tilespmem:s15+$0xFFFFFFFD];
	s17 =	spop (v2sf)  }
0x3e: {  	v12 =	vld [tilespmem:s15+$0xFFFFFFFF];
	s13 =	sadd.s32 s13, s17  }
0x3f: {  	v13 =	vld [tilespmem:s15+$0x0];
	_ =	sdelay $0x1  }
0x40: {  	v10 =	vsub.f32 v10, v9  }
0x41: {  	v11 =	vsub.f32 v11, v9  }
0x42: {  	v10 =	vand.u32 $0x7FFFFFFF, v10;
	v12 =	vsub.f32 v12, v9  }
0x43: {  	vm0 =	vle.f32 v10, v8;
	v51 =	vand.u32 $0x7FFFFFFF, v11;
	v52 =	vsub.f32 v13, v9  }
0x44: {  	v53 =	vsel vm0, $0x1, v3;
	vm1 =	vle.f32 v51, v8;
	v54 =	vand.u32 $0x7FFFFFFF, v12  }
0x45: {  	v55 =	vsel vm1, $0x1, v3;
	vm2 =	vle.f32 v54, v8;
	v9 =	vand.u32 $0x7FFFFFFF, v52  }
0x46: {  	v56 =	vadd.s32 v53, v55;
	v57 =	vsel vm2, $0x1, v3;
	vm3 =	vle.f32 v9, v8  }
0x47: {  	v8 =	vadd.s32 v57, v56;
	v9 =	vsel vm3, $0x1, v3  }
0x48: {  	v9 =	vadd.s32 v9, v8  }
0x49: {  	(xrf0) =	vadd.scan.msk.s32 $0xffff, v9;
	_ =	sdelay $0x5  }
0x4a: {  	v58, _, _ =	vpop (xrf0)  }
0x4b: {  	v9 =	vsub.s32 s13, v9;
	(v2sf) =	vpush v58, $0xF  }
0x4c: {  	v9 =	vadd.s32 v58, v9;
	_ =	sdelay $0x1  }
0x4d: {  	v11 =	vadd.s32 v53, v9  }
0x4e: {  	s30 =	sadd.s32 s14, s7  }
0x4f: {  	v59 =	vadd.s32 s30, v4;
	v10 =	vadd.s32 v56, v9  }
0x50: {  	v60 =	vor.u32 s30, v1;
	[tilespmem:v9+s10+$0x0] =	vst.idx.msk vm0, v59  }
0x51: {  	v61 =	vadd.s32 s30, v5;
	v8 =	vadd.s32 v8, v9;
	[tilespmem:v9+s11+$0x0] =	vst.idx.msk vm0, v60  }
0x52: {  	[tilespmem:v11+s10+$0x0] =	vst.idx.msk vm1, v61  }
0x53: {  	v62 =	vadd.s32 s30, v6;
	[tilespmem:v11+s11+$0x0] =	vst.idx.msk vm1, v60  }
0x54: {  	[tilespmem:v10+s10+$0x0] =	vst.idx.msk vm2, v62  }
0x55: {  	v63 =	vadd.s32 s30, v7;
	[tilespmem:v10+s11+$0x0] =	vst.idx.msk vm2, v60  }
0x56: {  	[tilespmem:v8+s10+$0x0] =	vst.idx.msk vm3, v63  }
0x57: {  	[tilespmem:v8+s11+$0x0] =	vst.idx.msk vm3, v60  }
0x58: {  	[hbm4b:s3+s2] =	stream.linear.scatter [tilespmem:s10], [sflag:$0x1], $0x2000, $0x38;
	[tilespmem:$0x4880] =	vst v63  }
0x59: {  	s31 =	spop (v2sf)  }
0x5a: {  	s12 =	sadd.s32 $0x1, s12;
	_ =	swait.ge [sflag:s9], $0x2000  }
0x5b: {  	p0 =	sne.s32 s12, s6;
	[sflag:s9] =	ssyncset.done $0x0  }
.Ltmp2:
0x5c: {  	[sflag:s9] =	ssyncadd.s32 $0xFFFFE000;
	(pc) =	sbr.rel @p0 .LBB2_2-.Ltmp2, $4  }
0x5d: {  	[hbm4b:s4+s2] =	stream.linear.scatter [tilespmem:s11], [sflag:$0x1], $0x2000, $0x38;
	[tilespmem:$0x4880] =	vst v63  }
0x5e: {  	_ =	swait.ge [sflag:s9], $0x2000  }
0x5f: {  	[sflag:s9] =	ssyncset.done $0x0  }
0x60: {  	[sflag:s9] =	ssyncadd.s32 $0xFFFFE000  }
.LBB2_5:
0x61: {  	_ =	sfence.sel $0x180000  }
0x62: {  	[bflag:$0x0] =	sbarrier.arrive $0xFFFF  }
0x63: {  	p0 =	sne.s32 s1, $0x0;
	_ =	strace $0x90000047  }
0x64: {  	s0 =	sadd.s32 @!p0 $0x100000, s0;
	[bflag:$0x2] =	sbarrier.arrive $0xFFFF  }
0x65: {  	[sflag:s0] =	ssyncadd.tile.s32 @!p0 $0x1;
	_ =	shalt  }
.Lfunc_end2:
_tile_overlayer_lowered:
.L_overlay_start_2:
0x66: {  	(tag) =	ssettag $0x2  }
0x67: {  	s0 =	rddreg [dreg:$0x0];
	s2 =	stileid.u32  }
0x68: {  	s1 =	rddreg [dreg:$0x1];
	p0 =	sne.s32 s2, $0x0  }
0x69: {  	s3 =	rddreg [dreg:$0x2];
	[bflag:$0x3] =	sbarrier.arrive $0xFFFF;
	s2 =	simm.s32 @!p0 $0x1C01  }
0x6a: {  	[timem:s3], [sflag:s2] =	dma.local @!p0 [hbm:s0], s1  }
0x6b: {  	s0 =	simm.s32 @!p0 $0x1  }
0x6c: {  	_ =	swait.ge @!p0 [sflag:s0], s1  }
0x6d: {  	s1 =	ssub.s32 @!p0 $0x0, s1;
	[sflag:s0] =	ssyncset.done @!p0 $0x0  }
0x6e: {  	[sflag:s0] =	ssyncadd.s32 @!p0 s1  }
0x6f: {  	[bflag:$0x3] =	sbarrier.arrive $0xFFFF  }
0x70: {  	_ =	shalt  }

</sc_bundles>
